<compile_context>
chip_gen: v7x
topology: tpu7x:2x2x1
jax: 0.10.2.dev20260603
libtpu: 0.0.44.dev20260713+nightly
codegen_flags: <defaults>
</compile_context>

<pallas_src>
import functools

import jax
import jax.numpy as jnp
from jax import lax
from jax.experimental import pallas as pl
from jax.experimental.pallas import tpu as pltpu
from jax.experimental.pallas import tpu_sc as plsc

BATCH = 4
SEQ_LEN = 8192
D_MODEL = 1024

NC = 2
NS = 16
NW = NC * NS

ROWS_PER_W = SEQ_LEN // NW
CHUNK = 16
NCHUNK = ROWS_PER_W // CHUNK
STEPS = NCHUNK * BATCH
LGRP = D_MODEL // 16

_mesh = plsc.VectorSubcoreMesh(core_axis_name="c", subcore_axis_name="s")


@functools.partial(
    pl.kernel,
    mesh=_mesh,
    out_type=jax.ShapeDtypeStruct((BATCH * SEQ_LEN, D_MODEL), jnp.float32),
    scratch_types=[
        pltpu.VMEM((2 * CHUNK, D_MODEL), jnp.float32),
        pltpu.VMEM((4 * CHUNK, D_MODEL), jnp.float32),
        pltpu.SemaphoreType.DMA((2,)),
        pltpu.SemaphoreType.DMA((4,)),
        pltpu.SemaphoreType.DMA((4,)),
    ],
    compiler_params=pltpu.CompilerParams(use_tc_tiling_on_sc=True),
)
def _sc_add(x_hbm, pos_hbm, out_hbm, pos_v, x_v, possem, ldsem, stsem):
    wid = lax.axis_index("s") * NC + lax.axis_index("c")
    base_row = wid * ROWS_PER_W

    def x_row(t):
        return (t % BATCH) * SEQ_LEN + base_row + (t // BATCH) * CHUNK

    def start_load(t):
        nb = t % 4
        pltpu.make_async_copy(
            x_hbm.at[pl.ds(x_row(t), CHUNK), :],
            x_v.at[pl.ds(nb * CHUNK, CHUNK), :],
            ldsem.at[nb]).start()

    def start_pos_load(k):
        pltpu.make_async_copy(
            pos_hbm.at[pl.ds(base_row + k * CHUNK, CHUNK), :],
            pos_v.at[pl.ds((k % 2) * CHUNK, CHUNK), :],
            possem.at[k % 2]).start()

    def wait_chunk(sem, idx):
        pltpu.make_async_copy(
            x_hbm.at[pl.ds(0, CHUNK), :],
            x_v.at[pl.ds(0, CHUNK), :],
            sem.at[idx]).wait()

    start_pos_load(0)
    start_load(0)
    start_load(1)

    def step_body(t, _):
        k = t // BATCH
        b = t % BATCH
        par = t % 4
        kpar = k % 2

        @pl.when(t < STEPS - 2)
        def _():
            @pl.when(t >= 2)
            def _():
                wait_chunk(stsem, (t + 2) % 4)

            start_load(t + 2)

        @pl.when(b == 0)
        def _():
            @pl.when(k + 1 < NCHUNK)
            def _():
                start_pos_load(k + 1)

            wait_chunk(possem, kpar)

        wait_chunk(ldsem, par)

        def row_body(r, _):
            xr = par * CHUNK + r
            pr = kpar * CHUNK + r
            for u in range(LGRP):
                sl = pl.ds(u * 16, 16)
                plsc.addupdate(x_v.at[xr, sl], pos_v[pr, sl])
            return 0

        pass

        pltpu.make_async_copy(
            x_v.at[pl.ds(par * CHUNK, CHUNK), :],
            out_hbm.at[pl.ds(x_row(t), CHUNK), :],
            stsem.at[par]).start()
        return 0

    lax.fori_loop(0, STEPS, step_body, 0)

    for tail in range(STEPS - 4, STEPS):
        wait_chunk(stsem, tail % 4)


@jax.jit
def kernel(x, pos_table):
    out = _sc_add(x.reshape(BATCH * SEQ_LEN, D_MODEL), pos_table)
    return out.reshape(BATCH, SEQ_LEN, D_MODEL)

# --- scband reference (transcript-rebuilt; emitter-appended) ---
"""Pipeline reference for scband-positional-embedding-53034256171651 (READ-ONLY COPY).

The authoritative reference and input builder live on the scoring server;
editing this copy changes nothing except your own understanding.
"""

import jax, jax.numpy as jnp
import numpy as np

SEQ_LEN = 8192
D_MODEL = 1024
BATCH = 4

def setup_inputs(seed: int = 0) -> dict:
    key = jax.random.key(seed)
    k1, k2 = jax.random.split(key)
    x = jax.random.normal(k1, (BATCH, SEQ_LEN, D_MODEL), dtype=jnp.float32)
    # Embedding table for positions, per init_kwargs (seq_len, d_model).
    # Keras Embedding default init is uniform(-0.05, 0.05).
    pos_table = jax.random.uniform(k2, (SEQ_LEN, D_MODEL), dtype=jnp.float32, minval=-0.05, maxval=0.05)
    return {"x": x, "pos_table": pos_table}

def reference(x, pos_table):
    # positions = range(0, x.shape[1])
    positions = jnp.arange(x.shape[1])
    # embedding lookup: gather rows of pos_table
    pos_emb = jnp.take(pos_table, positions, axis=0)  # [S, d_model]
    # broadcast add over batch
    return x + pos_emb[None, :, :]

if __name__ == "__main__":
    import jax
    _d = setup_inputs()
    print(jax.jit(kernel)(*tuple(_d.values())))

</pallas_src>

<mosaic_0001>
#map = affine_map<(d0, d1) -> (0, 0)>
module attributes {stable_mosaic.version = 14 : i64} {
  func.func @_sc_add(%arg0: i32, %arg1: i32, %arg2: memref<32768x1024xf32, #tpu.memory_space<hbm>>, %arg3: memref<8192x1024xf32, #tpu.memory_space<hbm>>, %arg4: memref<32768x1024xf32, #tpu.memory_space<hbm>>, %arg5: memref<32x1024xf32, #tpu.memory_space<vmem>>, %arg6: memref<64x1024xf32, #tpu.memory_space<vmem>>, %arg7: memref<2x!tpu.dma_semaphore, #tpu.memory_space<semaphore_mem>>, %arg8: memref<4x!tpu.dma_semaphore, #tpu.memory_space<semaphore_mem>>, %arg9: memref<4x!tpu.dma_semaphore, #tpu.memory_space<semaphore_mem>>) attributes {dimension_semantics = [#tpu.dimension_semantics<core_parallel>, #tpu.dimension_semantics<subcore_parallel>], iteration_bounds = array<i64: 2, 16>, scalar_prefetch = 0 : i64, scratch_operands = 5 : i64, tpu.core_type = #tpu.core_type<sc_vector_subcore>, window_params = [{transform_indices = #map}, {transform_indices = #map}, {transform_indices = #map}]} {
    %mul3A = arith.constant 2 : i32
    %mul3A_0 = arith.muli %arg1, %mul3A : i32
    %add3A = arith.addi %mul3A_0, %arg0 : i32
    %mul3A_1 = arith.constant 256 : i32
    %mul3A_2 = arith.muli %add3A, %mul3A_1 : i32
    %add3A_3 = arith.constant 0 : i32
    %add3A_4 = arith.addi %mul3A_2, %add3A_3 : i32
    %dma_start3A = arith.constant 0 : i32
    %dma_start3A_5 = arith.constant 0 : i32
    %dma_start3A_6 = arith.constant 0 : i32
    %dma_start3A_7 = tpu.memref_slice %arg5[%dma_start3A_5, %dma_start3A_6] : memref<32x1024xf32, #tpu.memory_space<vmem>> -> memref<16x1024xf32, #tpu.memory_space<vmem>>
    %dma_start3A_8 = arith.constant 0 : i32
    %dma_start3A_9 = tpu.memref_slice %arg3[%add3A_4, %dma_start3A_8] : memref<8192x1024xf32, #tpu.memory_space<hbm>> -> memref<16x1024xf32, #tpu.memory_space<hbm>>
    %dma_start3A_10 = tpu.memref_slice %arg7[%dma_start3A] : memref<2x!tpu.dma_semaphore, #tpu.memory_space<semaphore_mem>> -> memref<1x!tpu.dma_semaphore, #tpu.memory_space<semaphore_mem>>
    %dma_start3A_11 = tpu.memref_squeeze %dma_start3A_10 : memref<1x!tpu.dma_semaphore, #tpu.memory_space<semaphore_mem>> -> memref<!tpu.dma_semaphore, #tpu.memory_space<semaphore_mem>>
    %dma_start3A_12 = arith.constant 0 : i32
    %dma_start3A_13 = arith.constant 0 : i32
    %dma_start3A_14 = tpu.memref_slice %arg5[%dma_start3A_12, %dma_start3A_13] : memref<32x1024xf32, #tpu.memory_space<vmem>> -> memref<16x1024xf32, #tpu.memory_space<vmem>>
    %dma_start3A_15 = arith.constant 0 : i32
    %dma_start3A_16 = tpu.memref_slice %arg3[%add3A_4, %dma_start3A_15] : memref<8192x1024xf32, #tpu.memory_space<hbm>> -> memref<16x1024xf32, #tpu.memory_space<hbm>>
    tpu.enqueue_dma source(%dma_start3A_16 : memref<16x1024xf32, #tpu.memory_space<hbm>>) target(%dma_start3A_14 : memref<16x1024xf32, #tpu.memory_space<vmem>>) target_semaphore(%dma_start3A_11 : memref<!tpu.dma_semaphore, #tpu.memory_space<semaphore_mem>>)
    %add3A_17 = arith.constant 0 : i32
    %add3A_18 = arith.addi %add3A_17, %mul3A_2 : i32
    %add3A_19 = arith.constant 0 : i32
    %add3A_20 = arith.addi %add3A_18, %add3A_19 : i32
    %dma_start3A_21 = arith.constant 0 : i32
    %dma_start3A_22 = arith.constant 0 : i32
    %dma_start3A_23 = arith.constant 0 : i32
    %dma_start3A_24 = tpu.memref_slice %arg6[%dma_start3A_22, %dma_start3A_23] : memref<64x1024xf32, #tpu.memory_space<vmem>> -> memref<16x1024xf32, #tpu.memory_space<vmem>>
    %dma_start3A_25 = arith.constant 0 : i32
    %dma_start3A_26 = tpu.memref_slice %arg2[%add3A_20, %dma_start3A_25] : memref<32768x1024xf32, #tpu.memory_space<hbm>> -> memref<16x1024xf32, #tpu.memory_space<hbm>>
    %dma_start3A_27 = tpu.memref_slice %arg8[%dma_start3A_21] : memref<4x!tpu.dma_semaphore, #tpu.memory_space<semaphore_mem>> -> memref<1x!tpu.dma_semaphore, #tpu.memory_space<semaphore_mem>>
    %dma_start3A_28 = tpu.memref_squeeze %dma_start3A_27 : memref<1x!tpu.dma_semaphore, #tpu.memory_space<semaphore_mem>> -> memref<!tpu.dma_semaphore, #tpu.memory_space<semaphore_mem>>
    %dma_start3A_29 = arith.constant 0 : i32
    %dma_start3A_30 = arith.constant 0 : i32
    %dma_start3A_31 = tpu.memref_slice %arg6[%dma_start3A_29, %dma_start3A_30] : memref<64x1024xf32, #tpu.memory_space<vmem>> -> memref<16x1024xf32, #tpu.memory_space<vmem>>
    %dma_start3A_32 = arith.constant 0 : i32
    %dma_start3A_33 = tpu.memref_slice %arg2[%add3A_20, %dma_start3A_32] : memref<32768x1024xf32, #tpu.memory_space<hbm>> -> memref<16x1024xf32, #tpu.memory_space<hbm>>
    tpu.enqueue_dma source(%dma_start3A_33 : memref<16x1024xf32, #tpu.memory_space<hbm>>) target(%dma_start3A_31 : memref<16x1024xf32, #tpu.memory_space<vmem>>) target_semaphore(%dma_start3A_28 : memref<!tpu.dma_semaphore, #tpu.memory_space<semaphore_mem>>)
    %add3A_34 = arith.constant 8192 : i32
    %add3A_35 = arith.addi %add3A_34, %mul3A_2 : i32
    %add3A_36 = arith.constant 0 : i32
    %add3A_37 = arith.addi %add3A_35, %add3A_36 : i32
    %dma_start3A_38 = arith.constant 1 : i32
    %dma_start3A_39 = arith.constant 16 : i32
    %dma_start3A_40 = arith.constant 0 : i32
    %dma_start3A_41 = tpu.memref_slice %arg6[%dma_start3A_39, %dma_start3A_40] : memref<64x1024xf32, #tpu.memory_space<vmem>> -> memref<16x1024xf32, #tpu.memory_space<vmem>>
    %dma_start3A_42 = arith.constant 0 : i32
    %dma_start3A_43 = tpu.memref_slice %arg2[%add3A_37, %dma_start3A_42] : memref<32768x1024xf32, #tpu.memory_space<hbm>> -> memref<16x1024xf32, #tpu.memory_space<hbm>>
    %dma_start3A_44 = tpu.memref_slice %arg8[%dma_start3A_38] : memref<4x!tpu.dma_semaphore, #tpu.memory_space<semaphore_mem>> -> memref<1x!tpu.dma_semaphore, #tpu.memory_space<semaphore_mem>>
    %dma_start3A_45 = tpu.memref_squeeze %dma_start3A_44 : memref<1x!tpu.dma_semaphore, #tpu.memory_space<semaphore_mem>> -> memref<!tpu.dma_semaphore, #tpu.memory_space<semaphore_mem>>
    %dma_start3A_46 = arith.constant 16 : i32
    %dma_start3A_47 = arith.constant 0 : i32
    %dma_start3A_48 = tpu.memref_slice %arg6[%dma_start3A_46, %dma_start3A_47] : memref<64x1024xf32, #tpu.memory_space<vmem>> -> memref<16x1024xf32, #tpu.memory_space<vmem>>
    %dma_start3A_49 = arith.constant 0 : i32
    %dma_start3A_50 = tpu.memref_slice %arg2[%add3A_37, %dma_start3A_49] : memref<32768x1024xf32, #tpu.memory_space<hbm>> -> memref<16x1024xf32, #tpu.memory_space<hbm>>
    tpu.enqueue_dma source(%dma_start3A_50 : memref<16x1024xf32, #tpu.memory_space<hbm>>) target(%dma_start3A_48 : memref<16x1024xf32, #tpu.memory_space<vmem>>) target_semaphore(%dma_start3A_45 : memref<!tpu.dma_semaphore, #tpu.memory_space<semaphore_mem>>)
    %scan3A = arith.constant 0 : i32
    %scan3A_51 = arith.constant 0 : i32
    %scan3A_52 = arith.constant 64 : i32
    %scan3A_53 = arith.addi %scan3A_51, %scan3A_52 : i32
    %scan3A_54 = arith.constant 1 : i32
    %scan3A_55 = scf.for %scan3A_116 = %scan3A_51 to %scan3A_53 step %scan3A_54 iter_args(%scan3A_117 = %scan3A) -> (i32)  : i32 {
      %jit3A = arith.constant 4 : i32
      %div3A = arith.divsi %scan3A_116, %jit3A : i32
      %sign3A = arith.constant 0 : i32
      %sign3A_118 = arith.cmpi sgt, %scan3A_116, %sign3A : i32
      %sign3A_119 = arith.extui %sign3A_118 : i1 to i32
      %sign3A_120 = arith.constant 0 : i32
      %sign3A_121 = arith.cmpi slt, %scan3A_116, %sign3A_120 : i32
      %sign3A_122 = arith.extui %sign3A_121 : i1 to i32
      %sign3A_123 = arith.subi %sign3A_119, %sign3A_122 : i32
      %sign3A_124 = arith.constant 0 : i32
      %sign3A_125 = arith.cmpi sgt, %jit3A, %sign3A_124 : i32
      %sign3A_126 = arith.extui %sign3A_125 : i1 to i32
      %sign3A_127 = arith.constant 0 : i32
      %sign3A_128 = arith.cmpi slt, %jit3A, %sign3A_127 : i32
      %sign3A_129 = arith.extui %sign3A_128 : i1 to i32
      %sign3A_130 = arith.subi %sign3A_126, %sign3A_129 : i32
      %ne3A = arith.cmpi ne, %sign3A_123, %sign3A_130 : i32
      %rem3A = arith.remsi %scan3A_116, %jit3A : i32
      %ne3A_131 = arith.constant 0 : i32
      %ne3A_132 = arith.cmpi ne, %rem3A, %ne3A_131 : i32
      %and3A = arith.andi %ne3A, %ne3A_132 : i1
      %sub3A = arith.constant 1 : i32
      %sub3A_133 = arith.subi %div3A, %sub3A : i32
      %select_n3A = arith.select %and3A, %sub3A_133, %div3A : i32
      %jit3A_134 = arith.constant 4 : i32
      %eq3A = arith.constant 0 : i32
      %eq3A_135 = arith.cmpi eq, %jit3A_134, %eq3A : i32
      %jit3A_136 = arith.constant 1 : i32
      %select_n3A_137 = arith.select %eq3A_135, %jit3A_136, %jit3A_134 : i32
      %rem3A_138 = arith.remsi %scan3A_116, %select_n3A_137 : i32
      %ne3A_139 = arith.constant 0 : i32
      %ne3A_140 = arith.cmpi ne, %rem3A_138, %ne3A_139 : i32
      %lt3A = arith.constant 0 : i32
      %lt3A_141 = arith.cmpi slt, %rem3A_138, %lt3A : i32
      %lt3A_142 = arith.constant 0 : i32
      %lt3A_143 = arith.cmpi slt, %select_n3A_137, %lt3A_142 : i32
      %ne3A_144 = arith.xori %lt3A_141, %lt3A_143 : i1
      %and3A_145 = arith.andi %ne3A_144, %ne3A_140 : i1
      %add3A_146 = arith.addi %rem3A_138, %select_n3A_137 : i32
      %select_n3A_147 = arith.select %and3A_145, %add3A_146, %rem3A_138 : i32
      %jit3A_148 = arith.constant 4 : i32
      %eq3A_149 = arith.constant 0 : i32
      %eq3A_150 = arith.cmpi eq, %jit3A_148, %eq3A_149 : i32
      %jit3A_151 = arith.constant 1 : i32
      %select_n3A_152 = arith.select %eq3A_150, %jit3A_151, %jit3A_148 : i32
      %rem3A_153 = arith.remsi %scan3A_116, %select_n3A_152 : i32
      %ne3A_154 = arith.constant 0 : i32
      %ne3A_155 = arith.cmpi ne, %rem3A_153, %ne3A_154 : i32
      %lt3A_156 = arith.constant 0 : i32
      %lt3A_157 = arith.cmpi slt, %rem3A_153, %lt3A_156 : i32
      %lt3A_158 = arith.constant 0 : i32
      %lt3A_159 = arith.cmpi slt, %select_n3A_152, %lt3A_158 : i32
      %ne3A_160 = arith.xori %lt3A_157, %lt3A_159 : i1
      %and3A_161 = arith.andi %ne3A_160, %ne3A_155 : i1
      %add3A_162 = arith.addi %rem3A_153, %select_n3A_152 : i32
      %select_n3A_163 = arith.select %and3A_161, %add3A_162, %rem3A_153 : i32
      %jit3A_164 = arith.constant 2 : i32
      %eq3A_165 = arith.constant 0 : i32
      %eq3A_166 = arith.cmpi eq, %jit3A_164, %eq3A_165 : i32
      %jit3A_167 = arith.constant 1 : i32
      %select_n3A_168 = arith.select %eq3A_166, %jit3A_167, %jit3A_164 : i32
      %rem3A_169 = arith.remsi %select_n3A, %select_n3A_168 : i32
      %ne3A_170 = arith.constant 0 : i32
      %ne3A_171 = arith.cmpi ne, %rem3A_169, %ne3A_170 : i32
      %lt3A_172 = arith.constant 0 : i32
      %lt3A_173 = arith.cmpi slt, %rem3A_169, %lt3A_172 : i32
      %lt3A_174 = arith.constant 0 : i32
      %lt3A_175 = arith.cmpi slt, %select_n3A_168, %lt3A_174 : i32
      %ne3A_176 = arith.xori %lt3A_173, %lt3A_175 : i1
      %and3A_177 = arith.andi %ne3A_176, %ne3A_171 : i1
      %add3A_178 = arith.addi %rem3A_169, %select_n3A_168 : i32
      %select_n3A_179 = arith.select %and3A_177, %add3A_178, %rem3A_169 : i32
      %lt3A_180 = arith.constant 62 : i32
      %lt3A_181 = arith.cmpi slt, %scan3A_116, %lt3A_180 : i32
      %convert_element_type3A = arith.extui %lt3A_181 : i1 to i32
      %cond3A = arith.constant 0 : i32
      %cond3A_182 = arith.cmpi ne, %convert_element_type3A, %cond3A : i32
      scf.if %cond3A_182 {
        %ge3A = arith.constant 2 : i32
        %ge3A_261 = arith.cmpi sge, %scan3A_116, %ge3A : i32
        %convert_element_type3A_262 = arith.extui %ge3A_261 : i1 to i32
        %cond3A_263 = arith.constant 0 : i32
        %cond3A_264 = arith.cmpi ne, %convert_element_type3A_262, %cond3A_263 : i32
        scf.if %cond3A_264 {
          %add3A_341 = arith.constant 2 : i32
          %add3A_342 = arith.addi %scan3A_116, %add3A_341 : i32
          %jit3A_343 = arith.constant 4 : i32
          %eq3A_344 = arith.constant 0 : i32
          %eq3A_345 = arith.cmpi eq, %jit3A_343, %eq3A_344 : i32
          %jit3A_346 = arith.constant 1 : i32
          %select_n3A_347 = arith.select %eq3A_345, %jit3A_346, %jit3A_343 : i32
          %rem3A_348 = arith.remsi %add3A_342, %select_n3A_347 : i32
          %ne3A_349 = arith.constant 0 : i32
          %ne3A_350 = arith.cmpi ne, %rem3A_348, %ne3A_349 : i32
          %lt3A_351 = arith.constant 0 : i32
          %lt3A_352 = arith.cmpi slt, %rem3A_348, %lt3A_351 : i32
          %lt3A_353 = arith.constant 0 : i32
          %lt3A_354 = arith.cmpi slt, %select_n3A_347, %lt3A_353 : i32
          %ne3A_355 = arith.xori %lt3A_352, %lt3A_354 : i1
          %and3A_356 = arith.andi %ne3A_355, %ne3A_350 : i1
          %add3A_357 = arith.addi %rem3A_348, %select_n3A_347 : i32
          %select_n3A_358 = arith.select %and3A_356, %add3A_357, %rem3A_348 : i32
          %dma_wait3A_359 = arith.constant 0 : i32
          %dma_wait3A_360 = arith.constant 0 : i32
          %dma_wait3A_361 = tpu.memref_slice %arg6[%dma_wait3A_359, %dma_wait3A_360] : memref<64x1024xf32, #tpu.memory_space<vmem>> -> memref<16x1024xf32, #tpu.memory_space<vmem>>
          %dma_wait3A_362 = arith.constant 0 : i32
          %dma_wait3A_363 = arith.constant 0 : i32
          %dma_wait3A_364 = tpu.memref_slice %arg2[%dma_wait3A_362, %dma_wait3A_363] : memref<32768x1024xf32, #tpu.memory_space<hbm>> -> memref<16x1024xf32, #tpu.memory_space<hbm>>
          %dma_wait3A_365 = tpu.memref_slice %arg9[%select_n3A_358] : memref<4x!tpu.dma_semaphore, #tpu.memory_space<semaphore_mem>> -> memref<1x!tpu.dma_semaphore, #tpu.memory_space<semaphore_mem>>
          %dma_wait3A_366 = tpu.memref_squeeze %dma_wait3A_365 : memref<1x!tpu.dma_semaphore, #tpu.memory_space<semaphore_mem>> -> memref<!tpu.dma_semaphore, #tpu.memory_space<semaphore_mem>>
          %dma_wait3A_367 = arith.constant 0 : i32
          %dma_wait3A_368 = arith.constant 0 : i32
          %dma_wait3A_369 = tpu.memref_slice %arg6[%dma_wait3A_367, %dma_wait3A_368] : memref<64x1024xf32, #tpu.memory_space<vmem>> -> memref<16x1024xf32, #tpu.memory_space<vmem>>
          %dma_wait3A_370 = arith.constant 0 : i32
          %dma_wait3A_371 = arith.constant 0 : i32
          %dma_wait3A_372 = tpu.memref_slice %arg2[%dma_wait3A_370, %dma_wait3A_371] : memref<32768x1024xf32, #tpu.memory_space<hbm>> -> memref<16x1024xf32, #tpu.memory_space<hbm>>
          tpu.wait_dma2 semaphore(%dma_wait3A_366 : memref<!tpu.dma_semaphore, #tpu.memory_space<semaphore_mem>>) src(%dma_wait3A_372 : memref<16x1024xf32, #tpu.memory_space<hbm>>) dst(%dma_wait3A_369 : memref<16x1024xf32, #tpu.memory_space<vmem>>)
        } else {
        }
        %add3A_265 = arith.constant 2 : i32
        %add3A_266 = arith.addi %scan3A_116, %add3A_265 : i32
        %jit3A_267 = arith.constant 4 : i32
        %eq3A_268 = arith.constant 0 : i32
        %eq3A_269 = arith.cmpi eq, %jit3A_267, %eq3A_268 : i32
        %jit3A_270 = arith.constant 1 : i32
        %select_n3A_271 = arith.select %eq3A_269, %jit3A_270, %jit3A_267 : i32
        %rem3A_272 = arith.remsi %add3A_266, %select_n3A_271 : i32
        %ne3A_273 = arith.constant 0 : i32
        %ne3A_274 = arith.cmpi ne, %rem3A_272, %ne3A_273 : i32
        %lt3A_275 = arith.constant 0 : i32
        %lt3A_276 = arith.cmpi slt, %rem3A_272, %lt3A_275 : i32
        %lt3A_277 = arith.constant 0 : i32
        %lt3A_278 = arith.cmpi slt, %select_n3A_271, %lt3A_277 : i32
        %ne3A_279 = arith.xori %lt3A_276, %lt3A_278 : i1
        %and3A_280 = arith.andi %ne3A_279, %ne3A_274 : i1
        %add3A_281 = arith.addi %rem3A_272, %select_n3A_271 : i32
        %select_n3A_282 = arith.select %and3A_280, %add3A_281, %rem3A_272 : i32
        %jit3A_283 = arith.constant 4 : i32
        %eq3A_284 = arith.constant 0 : i32
        %eq3A_285 = arith.cmpi eq, %jit3A_283, %eq3A_284 : i32
        %jit3A_286 = arith.constant 1 : i32
        %select_n3A_287 = arith.select %eq3A_285, %jit3A_286, %jit3A_283 : i32
        %rem3A_288 = arith.remsi %add3A_266, %select_n3A_287 : i32
        %ne3A_289 = arith.constant 0 : i32
        %ne3A_290 = arith.cmpi ne, %rem3A_288, %ne3A_289 : i32
        %lt3A_291 = arith.constant 0 : i32
        %lt3A_292 = arith.cmpi slt, %rem3A_288, %lt3A_291 : i32
        %lt3A_293 = arith.constant 0 : i32
        %lt3A_294 = arith.cmpi slt, %select_n3A_287, %lt3A_293 : i32
        %ne3A_295 = arith.xori %lt3A_292, %lt3A_294 : i1
        %and3A_296 = arith.andi %ne3A_295, %ne3A_290 : i1
        %add3A_297 = arith.addi %rem3A_288, %select_n3A_287 : i32
        %select_n3A_298 = arith.select %and3A_296, %add3A_297, %rem3A_288 : i32
        %mul3A_299 = arith.constant 8192 : i32
        %mul3A_300 = arith.muli %select_n3A_298, %mul3A_299 : i32
        %add3A_301 = arith.addi %mul3A_300, %mul3A_2 : i32
        %jit3A_302 = arith.constant 4 : i32
        %div3A_303 = arith.divsi %add3A_266, %jit3A_302 : i32
        %sign3A_304 = arith.constant 0 : i32
        %sign3A_305 = arith.cmpi sgt, %add3A_266, %sign3A_304 : i32
        %sign3A_306 = arith.extui %sign3A_305 : i1 to i32
        %sign3A_307 = arith.constant 0 : i32
        %sign3A_308 = arith.cmpi slt, %add3A_266, %sign3A_307 : i32
        %sign3A_309 = arith.extui %sign3A_308 : i1 to i32
        %sign3A_310 = arith.subi %sign3A_306, %sign3A_309 : i32
        %sign3A_311 = arith.constant 0 : i32
        %sign3A_312 = arith.cmpi sgt, %jit3A_302, %sign3A_311 : i32
        %sign3A_313 = arith.extui %sign3A_312 : i1 to i32
        %sign3A_314 = arith.constant 0 : i32
        %sign3A_315 = arith.cmpi slt, %jit3A_302, %sign3A_314 : i32
        %sign3A_316 = arith.extui %sign3A_315 : i1 to i32
        %sign3A_317 = arith.subi %sign3A_313, %sign3A_316 : i32
        %ne3A_318 = arith.cmpi ne, %sign3A_310, %sign3A_317 : i32
        %rem3A_319 = arith.remsi %add3A_266, %jit3A_302 : i32
        %ne3A_320 = arith.constant 0 : i32
        %ne3A_321 = arith.cmpi ne, %rem3A_319, %ne3A_320 : i32
        %and3A_322 = arith.andi %ne3A_318, %ne3A_321 : i1
        %sub3A_323 = arith.constant 1 : i32
        %sub3A_324 = arith.subi %div3A_303, %sub3A_323 : i32
        %select_n3A_325 = arith.select %and3A_322, %sub3A_324, %div3A_303 : i32
        %mul3A_326 = arith.constant 16 : i32
        %mul3A_327 = arith.muli %select_n3A_325, %mul3A_326 : i32
        %add3A_328 = arith.addi %add3A_301, %mul3A_327 : i32
        %mul3A_329 = arith.constant 16 : i32
        %mul3A_330 = arith.muli %select_n3A_282, %mul3A_329 : i32
        %dma_start3A_331 = arith.constant 0 : i32
        %dma_start3A_332 = tpu.memref_slice %arg6[%mul3A_330, %dma_start3A_331] : memref<64x1024xf32, #tpu.memory_space<vmem>> -> memref<16x1024xf32, #tpu.memory_space<vmem>>
        %dma_start3A_333 = arith.constant 0 : i32
        %dma_start3A_334 = tpu.memref_slice %arg2[%add3A_328, %dma_start3A_333] : memref<32768x1024xf32, #tpu.memory_space<hbm>> -> memref<16x1024xf32, #tpu.memory_space<hbm>>
        %dma_start3A_335 = tpu.memref_slice %arg8[%select_n3A_282] : memref<4x!tpu.dma_semaphore, #tpu.memory_space<semaphore_mem>> -> memref<1x!tpu.dma_semaphore, #tpu.memory_space<semaphore_mem>>
        %dma_start3A_336 = tpu.memref_squeeze %dma_start3A_335 : memref<1x!tpu.dma_semaphore, #tpu.memory_space<semaphore_mem>> -> memref<!tpu.dma_semaphore, #tpu.memory_space<semaphore_mem>>
        %dma_start3A_337 = arith.constant 0 : i32
        %dma_start3A_338 = tpu.memref_slice %arg6[%mul3A_330, %dma_start3A_337] : memref<64x1024xf32, #tpu.memory_space<vmem>> -> memref<16x1024xf32, #tpu.memory_space<vmem>>
        %dma_start3A_339 = arith.constant 0 : i32
        %dma_start3A_340 = tpu.memref_slice %arg2[%add3A_328, %dma_start3A_339] : memref<32768x1024xf32, #tpu.memory_space<hbm>> -> memref<16x1024xf32, #tpu.memory_space<hbm>>
        tpu.enqueue_dma source(%dma_start3A_340 : memref<16x1024xf32, #tpu.memory_space<hbm>>) target(%dma_start3A_338 : memref<16x1024xf32, #tpu.memory_space<vmem>>) target_semaphore(%dma_start3A_336 : memref<!tpu.dma_semaphore, #tpu.memory_space<semaphore_mem>>)
      } else {
      }
      %eq3A_183 = arith.constant 0 : i32
      %eq3A_184 = arith.cmpi eq, %select_n3A_147, %eq3A_183 : i32
      %convert_element_type3A_185 = arith.extui %eq3A_184 : i1 to i32
      %cond3A_186 = arith.constant 0 : i32
      %cond3A_187 = arith.cmpi ne, %convert_element_type3A_185, %cond3A_186 : i32
      scf.if %cond3A_187 {
        %add3A_261 = arith.constant 1 : i32
        %add3A_262 = arith.addi %select_n3A, %add3A_261 : i32
        %lt3A_263 = arith.constant 16 : i32
        %lt3A_264 = arith.cmpi slt, %add3A_262, %lt3A_263 : i32
        %convert_element_type3A_265 = arith.extui %lt3A_264 : i1 to i32
        %cond3A_266 = arith.constant 0 : i32
        %cond3A_267 = arith.cmpi ne, %convert_element_type3A_265, %cond3A_266 : i32
        scf.if %cond3A_267 {
          %add3A_282 = arith.constant 1 : i32
          %add3A_283 = arith.addi %select_n3A, %add3A_282 : i32
          %mul3A_284 = arith.constant 16 : i32
          %mul3A_285 = arith.muli %add3A_283, %mul3A_284 : i32
          %add3A_286 = arith.addi %mul3A_2, %mul3A_285 : i32
          %jit3A_287 = arith.constant 2 : i32
          %eq3A_288 = arith.constant 0 : i32
          %eq3A_289 = arith.cmpi eq, %jit3A_287, %eq3A_288 : i32
          %jit3A_290 = arith.constant 1 : i32
          %select_n3A_291 = arith.select %eq3A_289, %jit3A_290, %jit3A_287 : i32
          %rem3A_292 = arith.remsi %add3A_283, %select_n3A_291 : i32
          %ne3A_293 = arith.constant 0 : i32
          %ne3A_294 = arith.cmpi ne, %rem3A_292, %ne3A_293 : i32
          %lt3A_295 = arith.constant 0 : i32
          %lt3A_296 = arith.cmpi slt, %rem3A_292, %lt3A_295 : i32
          %lt3A_297 = arith.constant 0 : i32
          %lt3A_298 = arith.cmpi slt, %select_n3A_291, %lt3A_297 : i32
          %ne3A_299 = arith.xori %lt3A_296, %lt3A_298 : i1
          %and3A_300 = arith.andi %ne3A_299, %ne3A_294 : i1
          %add3A_301 = arith.addi %rem3A_292, %select_n3A_291 : i32
          %select_n3A_302 = arith.select %and3A_300, %add3A_301, %rem3A_292 : i32
          %mul3A_303 = arith.constant 16 : i32
          %mul3A_304 = arith.muli %select_n3A_302, %mul3A_303 : i32
          %jit3A_305 = arith.constant 2 : i32
          %eq3A_306 = arith.constant 0 : i32
          %eq3A_307 = arith.cmpi eq, %jit3A_305, %eq3A_306 : i32
          %jit3A_308 = arith.constant 1 : i32
          %select_n3A_309 = arith.select %eq3A_307, %jit3A_308, %jit3A_305 : i32
          %rem3A_310 = arith.remsi %add3A_283, %select_n3A_309 : i32
          %ne3A_311 = arith.constant 0 : i32
          %ne3A_312 = arith.cmpi ne, %rem3A_310, %ne3A_311 : i32
          %lt3A_313 = arith.constant 0 : i32
          %lt3A_314 = arith.cmpi slt, %rem3A_310, %lt3A_313 : i32
          %lt3A_315 = arith.constant 0 : i32
          %lt3A_316 = arith.cmpi slt, %select_n3A_309, %lt3A_315 : i32
          %ne3A_317 = arith.xori %lt3A_314, %lt3A_316 : i1
          %and3A_318 = arith.andi %ne3A_317, %ne3A_312 : i1
          %add3A_319 = arith.addi %rem3A_310, %select_n3A_309 : i32
          %select_n3A_320 = arith.select %and3A_318, %add3A_319, %rem3A_310 : i32
          %dma_start3A_321 = arith.constant 0 : i32
          %dma_start3A_322 = tpu.memref_slice %arg5[%mul3A_304, %dma_start3A_321] : memref<32x1024xf32, #tpu.memory_space<vmem>> -> memref<16x1024xf32, #tpu.memory_space<vmem>>
          %dma_start3A_323 = arith.constant 0 : i32
          %dma_start3A_324 = tpu.memref_slice %arg3[%add3A_286, %dma_start3A_323] : memref<8192x1024xf32, #tpu.memory_space<hbm>> -> memref<16x1024xf32, #tpu.memory_space<hbm>>
          %dma_start3A_325 = tpu.memref_slice %arg7[%select_n3A_320] : memref<2x!tpu.dma_semaphore, #tpu.memory_space<semaphore_mem>> -> memref<1x!tpu.dma_semaphore, #tpu.memory_space<semaphore_mem>>
          %dma_start3A_326 = tpu.memref_squeeze %dma_start3A_325 : memref<1x!tpu.dma_semaphore, #tpu.memory_space<semaphore_mem>> -> memref<!tpu.dma_semaphore, #tpu.memory_space<semaphore_mem>>
          %dma_start3A_327 = arith.constant 0 : i32
          %dma_start3A_328 = tpu.memref_slice %arg5[%mul3A_304, %dma_start3A_327] : memref<32x1024xf32, #tpu.memory_space<vmem>> -> memref<16x1024xf32, #tpu.memory_space<vmem>>
          %dma_start3A_329 = arith.constant 0 : i32
          %dma_start3A_330 = tpu.memref_slice %arg3[%add3A_286, %dma_start3A_329] : memref<8192x1024xf32, #tpu.memory_space<hbm>> -> memref<16x1024xf32, #tpu.memory_space<hbm>>
          tpu.enqueue_dma source(%dma_start3A_330 : memref<16x1024xf32, #tpu.memory_space<hbm>>) target(%dma_start3A_328 : memref<16x1024xf32, #tpu.memory_space<vmem>>) target_semaphore(%dma_start3A_326 : memref<!tpu.dma_semaphore, #tpu.memory_space<semaphore_mem>>)
        } else {
        }
        %dma_wait3A_268 = arith.constant 0 : i32
        %dma_wait3A_269 = arith.constant 0 : i32
        %dma_wait3A_270 = tpu.memref_slice %arg6[%dma_wait3A_268, %dma_wait3A_269] : memref<64x1024xf32, #tpu.memory_space<vmem>> -> memref<16x1024xf32, #tpu.memory_space<vmem>>
        %dma_wait3A_271 = arith.constant 0 : i32
        %dma_wait3A_272 = arith.constant 0 : i32
        %dma_wait3A_273 = tpu.memref_slice %arg2[%dma_wait3A_271, %dma_wait3A_272] : memref<32768x1024xf32, #tpu.memory_space<hbm>> -> memref<16x1024xf32, #tpu.memory_space<hbm>>
        %dma_wait3A_274 = tpu.memref_slice %arg7[%select_n3A_179] : memref<2x!tpu.dma_semaphore, #tpu.memory_space<semaphore_mem>> -> memref<1x!tpu.dma_semaphore, #tpu.memory_space<semaphore_mem>>
        %dma_wait3A_275 = tpu.memref_squeeze %dma_wait3A_274 : memref<1x!tpu.dma_semaphore, #tpu.memory_space<semaphore_mem>> -> memref<!tpu.dma_semaphore, #tpu.memory_space<semaphore_mem>>
        %dma_wait3A_276 = arith.constant 0 : i32
        %dma_wait3A_277 = arith.constant 0 : i32
        %dma_wait3A_278 = tpu.memref_slice %arg6[%dma_wait3A_276, %dma_wait3A_277] : memref<64x1024xf32, #tpu.memory_space<vmem>> -> memref<16x1024xf32, #tpu.memory_space<vmem>>
        %dma_wait3A_279 = arith.constant 0 : i32
        %dma_wait3A_280 = arith.constant 0 : i32
        %dma_wait3A_281 = tpu.memref_slice %arg2[%dma_wait3A_279, %dma_wait3A_280] : memref<32768x1024xf32, #tpu.memory_space<hbm>> -> memref<16x1024xf32, #tpu.memory_space<hbm>>
        tpu.wait_dma2 semaphore(%dma_wait3A_275 : memref<!tpu.dma_semaphore, #tpu.memory_space<semaphore_mem>>) src(%dma_wait3A_281 : memref<16x1024xf32, #tpu.memory_space<hbm>>) dst(%dma_wait3A_278 : memref<16x1024xf32, #tpu.memory_space<vmem>>)
      } else {
      }
      %dma_wait3A_188 = arith.constant 0 : i32
      %dma_wait3A_189 = arith.constant 0 : i32
      %dma_wait3A_190 = tpu.memref_slice %arg6[%dma_wait3A_188, %dma_wait3A_189] : memref<64x1024xf32, #tpu.memory_space<vmem>> -> memref<16x1024xf32, #tpu.memory_space<vmem>>
      %dma_wait3A_191 = arith.constant 0 : i32
      %dma_wait3A_192 = arith.constant 0 : i32
      %dma_wait3A_193 = tpu.memref_slice %arg2[%dma_wait3A_191, %dma_wait3A_192] : memref<32768x1024xf32, #tpu.memory_space<hbm>> -> memref<16x1024xf32, #tpu.memory_space<hbm>>
      %dma_wait3A_194 = tpu.memref_slice %arg8[%select_n3A_163] : memref<4x!tpu.dma_semaphore, #tpu.memory_space<semaphore_mem>> -> memref<1x!tpu.dma_semaphore, #tpu.memory_space<semaphore_mem>>
      %dma_wait3A_195 = tpu.memref_squeeze %dma_wait3A_194 : memref<1x!tpu.dma_semaphore, #tpu.memory_space<semaphore_mem>> -> memref<!tpu.dma_semaphore, #tpu.memory_space<semaphore_mem>>
      %dma_wait3A_196 = arith.constant 0 : i32
      %dma_wait3A_197 = arith.constant 0 : i32
      %dma_wait3A_198 = tpu.memref_slice %arg6[%dma_wait3A_196, %dma_wait3A_197] : memref<64x1024xf32, #tpu.memory_space<vmem>> -> memref<16x1024xf32, #tpu.memory_space<vmem>>
      %dma_wait3A_199 = arith.constant 0 : i32
      %dma_wait3A_200 = arith.constant 0 : i32
      %dma_wait3A_201 = tpu.memref_slice %arg2[%dma_wait3A_199, %dma_wait3A_200] : memref<32768x1024xf32, #tpu.memory_space<hbm>> -> memref<16x1024xf32, #tpu.memory_space<hbm>>
      tpu.wait_dma2 semaphore(%dma_wait3A_195 : memref<!tpu.dma_semaphore, #tpu.memory_space<semaphore_mem>>) src(%dma_wait3A_201 : memref<16x1024xf32, #tpu.memory_space<hbm>>) dst(%dma_wait3A_198 : memref<16x1024xf32, #tpu.memory_space<vmem>>)
      %mul3A_202 = arith.constant 16 : i32
      %mul3A_203 = arith.muli %select_n3A_163, %mul3A_202 : i32
      %jit3A_204 = arith.constant 4 : i32
      %eq3A_205 = arith.constant 0 : i32
      %eq3A_206 = arith.cmpi eq, %jit3A_204, %eq3A_205 : i32
      %jit3A_207 = arith.constant 1 : i32
      %select_n3A_208 = arith.select %eq3A_206, %jit3A_207, %jit3A_204 : i32
      %rem3A_209 = arith.remsi %scan3A_116, %select_n3A_208 : i32
      %ne3A_210 = arith.constant 0 : i32
      %ne3A_211 = arith.cmpi ne, %rem3A_209, %ne3A_210 : i32
      %lt3A_212 = arith.constant 0 : i32
      %lt3A_213 = arith.cmpi slt, %rem3A_209, %lt3A_212 : i32
      %lt3A_214 = arith.constant 0 : i32
      %lt3A_215 = arith.cmpi slt, %select_n3A_208, %lt3A_214 : i32
      %ne3A_216 = arith.xori %lt3A_213, %lt3A_215 : i1
      %and3A_217 = arith.andi %ne3A_216, %ne3A_211 : i1
      %add3A_218 = arith.addi %rem3A_209, %select_n3A_208 : i32
      %select_n3A_219 = arith.select %and3A_217, %add3A_218, %rem3A_209 : i32
      %mul3A_220 = arith.constant 8192 : i32
      %mul3A_221 = arith.muli %select_n3A_219, %mul3A_220 : i32
      %add3A_222 = arith.addi %mul3A_221, %mul3A_2 : i32
      %jit3A_223 = arith.constant 4 : i32
      %div3A_224 = arith.divsi %scan3A_116, %jit3A_223 : i32
      %sign3A_225 = arith.constant 0 : i32
      %sign3A_226 = arith.cmpi sgt, %scan3A_116, %sign3A_225 : i32
      %sign3A_227 = arith.extui %sign3A_226 : i1 to i32
      %sign3A_228 = arith.constant 0 : i32
      %sign3A_229 = arith.cmpi slt, %scan3A_116, %sign3A_228 : i32
      %sign3A_230 = arith.extui %sign3A_229 : i1 to i32
      %sign3A_231 = arith.subi %sign3A_227, %sign3A_230 : i32
      %sign3A_232 = arith.constant 0 : i32
      %sign3A_233 = arith.cmpi sgt, %jit3A_223, %sign3A_232 : i32
      %sign3A_234 = arith.extui %sign3A_233 : i1 to i32
      %sign3A_235 = arith.constant 0 : i32
      %sign3A_236 = arith.cmpi slt, %jit3A_223, %sign3A_235 : i32
      %sign3A_237 = arith.extui %sign3A_236 : i1 to i32
      %sign3A_238 = arith.subi %sign3A_234, %sign3A_237 : i32
      %ne3A_239 = arith.cmpi ne, %sign3A_231, %sign3A_238 : i32
      %rem3A_240 = arith.remsi %scan3A_116, %jit3A_223 : i32
      %ne3A_241 = arith.constant 0 : i32
      %ne3A_242 = arith.cmpi ne, %rem3A_240, %ne3A_241 : i32
      %and3A_243 = arith.andi %ne3A_239, %ne3A_242 : i1
      %sub3A_244 = arith.constant 1 : i32
      %sub3A_245 = arith.subi %div3A_224, %sub3A_244 : i32
      %select_n3A_246 = arith.select %and3A_243, %sub3A_245, %div3A_224 : i32
      %mul3A_247 = arith.constant 16 : i32
      %mul3A_248 = arith.muli %select_n3A_246, %mul3A_247 : i32
      %add3A_249 = arith.addi %add3A_222, %mul3A_248 : i32
      %dma_start3A_250 = arith.constant 0 : i32
      %dma_start3A_251 = tpu.memref_slice %arg6[%mul3A_203, %dma_start3A_250] : memref<64x1024xf32, #tpu.memory_space<vmem>> -> memref<16x1024xf32, #tpu.memory_space<vmem>>
      %dma_start3A_252 = arith.constant 0 : i32
      %dma_start3A_253 = tpu.memref_slice %arg4[%add3A_249, %dma_start3A_252] : memref<32768x1024xf32, #tpu.memory_space<hbm>> -> memref<16x1024xf32, #tpu.memory_space<hbm>>
      %dma_start3A_254 = tpu.memref_slice %arg9[%select_n3A_163] : memref<4x!tpu.dma_semaphore, #tpu.memory_space<semaphore_mem>> -> memref<1x!tpu.dma_semaphore, #tpu.memory_space<semaphore_mem>>
      %dma_start3A_255 = tpu.memref_squeeze %dma_start3A_254 : memref<1x!tpu.dma_semaphore, #tpu.memory_space<semaphore_mem>> -> memref<!tpu.dma_semaphore, #tpu.memory_space<semaphore_mem>>
      %dma_start3A_256 = arith.constant 0 : i32
      %dma_start3A_257 = tpu.memref_slice %arg4[%add3A_249, %dma_start3A_256] : memref<32768x1024xf32, #tpu.memory_space<hbm>> -> memref<16x1024xf32, #tpu.memory_space<hbm>>
      %dma_start3A_258 = arith.constant 0 : i32
      %dma_start3A_259 = tpu.memref_slice %arg6[%mul3A_203, %dma_start3A_258] : memref<64x1024xf32, #tpu.memory_space<vmem>> -> memref<16x1024xf32, #tpu.memory_space<vmem>>
      tpu.enqueue_dma source(%dma_start3A_259 : memref<16x1024xf32, #tpu.memory_space<vmem>>) target(%dma_start3A_257 : memref<16x1024xf32, #tpu.memory_space<hbm>>) target_semaphore(%dma_start3A_255 : memref<!tpu.dma_semaphore, #tpu.memory_space<semaphore_mem>>)
      %scan3A_260 = arith.constant 0 : i32
      scf.yield %scan3A_260 : i32
    }
    %scan3A_56 = arith.constant 64 : i32
    %dma_wait3A = arith.constant 0 : i32
    %dma_wait3A_57 = arith.constant 0 : i32
    %dma_wait3A_58 = arith.constant 0 : i32
    %dma_wait3A_59 = tpu.memref_slice %arg6[%dma_wait3A_57, %dma_wait3A_58] : memref<64x1024xf32, #tpu.memory_space<vmem>> -> memref<16x1024xf32, #tpu.memory_space<vmem>>
    %dma_wait3A_60 = arith.constant 0 : i32
    %dma_wait3A_61 = arith.constant 0 : i32
    %dma_wait3A_62 = tpu.memref_slice %arg2[%dma_wait3A_60, %dma_wait3A_61] : memref<32768x1024xf32, #tpu.memory_space<hbm>> -> memref<16x1024xf32, #tpu.memory_space<hbm>>
    %dma_wait3A_63 = tpu.memref_slice %arg9[%dma_wait3A] : memref<4x!tpu.dma_semaphore, #tpu.memory_space<semaphore_mem>> -> memref<1x!tpu.dma_semaphore, #tpu.memory_space<semaphore_mem>>
    %dma_wait3A_64 = tpu.memref_squeeze %dma_wait3A_63 : memref<1x!tpu.dma_semaphore, #tpu.memory_space<semaphore_mem>> -> memref<!tpu.dma_semaphore, #tpu.memory_space<semaphore_mem>>
    %dma_wait3A_65 = arith.constant 0 : i32
    %dma_wait3A_66 = arith.constant 0 : i32
    %dma_wait3A_67 = tpu.memref_slice %arg6[%dma_wait3A_65, %dma_wait3A_66] : memref<64x1024xf32, #tpu.memory_space<vmem>> -> memref<16x1024xf32, #tpu.memory_space<vmem>>
    %dma_wait3A_68 = arith.constant 0 : i32
    %dma_wait3A_69 = arith.constant 0 : i32
    %dma_wait3A_70 = tpu.memref_slice %arg2[%dma_wait3A_68, %dma_wait3A_69] : memref<32768x1024xf32, #tpu.memory_space<hbm>> -> memref<16x1024xf32, #tpu.memory_space<hbm>>
    tpu.wait_dma2 semaphore(%dma_wait3A_64 : memref<!tpu.dma_semaphore, #tpu.memory_space<semaphore_mem>>) src(%dma_wait3A_70 : memref<16x1024xf32, #tpu.memory_space<hbm>>) dst(%dma_wait3A_67 : memref<16x1024xf32, #tpu.memory_space<vmem>>)
    %dma_wait3A_71 = arith.constant 1 : i32
    %dma_wait3A_72 = arith.constant 0 : i32
    %dma_wait3A_73 = arith.constant 0 : i32
    %dma_wait3A_74 = tpu.memref_slice %arg6[%dma_wait3A_72, %dma_wait3A_73] : memref<64x1024xf32, #tpu.memory_space<vmem>> -> memref<16x1024xf32, #tpu.memory_space<vmem>>
    %dma_wait3A_75 = arith.constant 0 : i32
    %dma_wait3A_76 = arith.constant 0 : i32
    %dma_wait3A_77 = tpu.memref_slice %arg2[%dma_wait3A_75, %dma_wait3A_76] : memref<32768x1024xf32, #tpu.memory_space<hbm>> -> memref<16x1024xf32, #tpu.memory_space<hbm>>
    %dma_wait3A_78 = tpu.memref_slice %arg9[%dma_wait3A_71] : memref<4x!tpu.dma_semaphore, #tpu.memory_space<semaphore_mem>> -> memref<1x!tpu.dma_semaphore, #tpu.memory_space<semaphore_mem>>
    %dma_wait3A_79 = tpu.memref_squeeze %dma_wait3A_78 : memref<1x!tpu.dma_semaphore, #tpu.memory_space<semaphore_mem>> -> memref<!tpu.dma_semaphore, #tpu.memory_space<semaphore_mem>>
    %dma_wait3A_80 = arith.constant 0 : i32
    %dma_wait3A_81 = arith.constant 0 : i32
    %dma_wait3A_82 = tpu.memref_slice %arg6[%dma_wait3A_80, %dma_wait3A_81] : memref<64x1024xf32, #tpu.memory_space<vmem>> -> memref<16x1024xf32, #tpu.memory_space<vmem>>
    %dma_wait3A_83 = arith.constant 0 : i32
    %dma_wait3A_84 = arith.constant 0 : i32
    %dma_wait3A_85 = tpu.memref_slice %arg2[%dma_wait3A_83, %dma_wait3A_84] : memref<32768x1024xf32, #tpu.memory_space<hbm>> -> memref<16x1024xf32, #tpu.memory_space<hbm>>
    tpu.wait_dma2 semaphore(%dma_wait3A_79 : memref<!tpu.dma_semaphore, #tpu.memory_space<semaphore_mem>>) src(%dma_wait3A_85 : memref<16x1024xf32, #tpu.memory_space<hbm>>) dst(%dma_wait3A_82 : memref<16x1024xf32, #tpu.memory_space<vmem>>)
    %dma_wait3A_86 = arith.constant 2 : i32
    %dma_wait3A_87 = arith.constant 0 : i32
    %dma_wait3A_88 = arith.constant 0 : i32
    %dma_wait3A_89 = tpu.memref_slice %arg6[%dma_wait3A_87, %dma_wait3A_88] : memref<64x1024xf32, #tpu.memory_space<vmem>> -> memref<16x1024xf32, #tpu.memory_space<vmem>>
    %dma_wait3A_90 = arith.constant 0 : i32
    %dma_wait3A_91 = arith.constant 0 : i32
    %dma_wait3A_92 = tpu.memref_slice %arg2[%dma_wait3A_90, %dma_wait3A_91] : memref<32768x1024xf32, #tpu.memory_space<hbm>> -> memref<16x1024xf32, #tpu.memory_space<hbm>>
    %dma_wait3A_93 = tpu.memref_slice %arg9[%dma_wait3A_86] : memref<4x!tpu.dma_semaphore, #tpu.memory_space<semaphore_mem>> -> memref<1x!tpu.dma_semaphore, #tpu.memory_space<semaphore_mem>>
    %dma_wait3A_94 = tpu.memref_squeeze %dma_wait3A_93 : memref<1x!tpu.dma_semaphore, #tpu.memory_space<semaphore_mem>> -> memref<!tpu.dma_semaphore, #tpu.memory_space<semaphore_mem>>
    %dma_wait3A_95 = arith.constant 0 : i32
    %dma_wait3A_96 = arith.constant 0 : i32
    %dma_wait3A_97 = tpu.memref_slice %arg6[%dma_wait3A_95, %dma_wait3A_96] : memref<64x1024xf32, #tpu.memory_space<vmem>> -> memref<16x1024xf32, #tpu.memory_space<vmem>>
    %dma_wait3A_98 = arith.constant 0 : i32
    %dma_wait3A_99 = arith.constant 0 : i32
    %dma_wait3A_100 = tpu.memref_slice %arg2[%dma_wait3A_98, %dma_wait3A_99] : memref<32768x1024xf32, #tpu.memory_space<hbm>> -> memref<16x1024xf32, #tpu.memory_space<hbm>>
    tpu.wait_dma2 semaphore(%dma_wait3A_94 : memref<!tpu.dma_semaphore, #tpu.memory_space<semaphore_mem>>) src(%dma_wait3A_100 : memref<16x1024xf32, #tpu.memory_space<hbm>>) dst(%dma_wait3A_97 : memref<16x1024xf32, #tpu.memory_space<vmem>>)
    %dma_wait3A_101 = arith.constant 3 : i32
    %dma_wait3A_102 = arith.constant 0 : i32
    %dma_wait3A_103 = arith.constant 0 : i32
    %dma_wait3A_104 = tpu.memref_slice %arg6[%dma_wait3A_102, %dma_wait3A_103] : memref<64x1024xf32, #tpu.memory_space<vmem>> -> memref<16x1024xf32, #tpu.memory_space<vmem>>
    %dma_wait3A_105 = arith.constant 0 : i32
    %dma_wait3A_106 = arith.constant 0 : i32
    %dma_wait3A_107 = tpu.memref_slice %arg2[%dma_wait3A_105, %dma_wait3A_106] : memref<32768x1024xf32, #tpu.memory_space<hbm>> -> memref<16x1024xf32, #tpu.memory_space<hbm>>
    %dma_wait3A_108 = tpu.memref_slice %arg9[%dma_wait3A_101] : memref<4x!tpu.dma_semaphore, #tpu.memory_space<semaphore_mem>> -> memref<1x!tpu.dma_semaphore, #tpu.memory_space<semaphore_mem>>
    %dma_wait3A_109 = tpu.memref_squeeze %dma_wait3A_108 : memref<1x!tpu.dma_semaphore, #tpu.memory_space<semaphore_mem>> -> memref<!tpu.dma_semaphore, #tpu.memory_space<semaphore_mem>>
    %dma_wait3A_110 = arith.constant 0 : i32
    %dma_wait3A_111 = arith.constant 0 : i32
    %dma_wait3A_112 = tpu.memref_slice %arg6[%dma_wait3A_110, %dma_wait3A_111] : memref<64x1024xf32, #tpu.memory_space<vmem>> -> memref<16x1024xf32, #tpu.memory_space<vmem>>
    %dma_wait3A_113 = arith.constant 0 : i32
    %dma_wait3A_114 = arith.constant 0 : i32
    %dma_wait3A_115 = tpu.memref_slice %arg2[%dma_wait3A_113, %dma_wait3A_114] : memref<32768x1024xf32, #tpu.memory_space<hbm>> -> memref<16x1024xf32, #tpu.memory_space<hbm>>
    tpu.wait_dma2 semaphore(%dma_wait3A_109 : memref<!tpu.dma_semaphore, #tpu.memory_space<semaphore_mem>>) src(%dma_wait3A_115 : memref<16x1024xf32, #tpu.memory_space<hbm>>) dst(%dma_wait3A_112 : memref<16x1024xf32, #tpu.memory_space<vmem>>)
    return
  }
}

</mosaic_0001>

<sc_bundles>
// kernel: kernel.3.cloned.1.call-start
scs
__scs_entry_jumppad:
0x0: {  	(pc) =	sbr.rel $0x88, $3  }
0x1: {  	(tag) =	ssettag $0x0;
	lr =	simm.s32 $0x1  }
0x2: {  	[smem:$0x3F9F] =	sst lr;
	_ =	strace $0xD0000000  }
0x3: {  	_ = 	snop  }
0x4: {  	_ = 	snop  }
0x5: {  	_ = 	snop  }
0x6: {  	_ = 	snop  }
0x7: {  	_ = 	snop  }
__scs_overlays_trampoline_lowered:
0x8: {  	[smem:$0x3FAE] =	sst s0  }
0x9: {  	[smem:$0x3FAF] =	sst s1  }
0xa: {  	[smem:$0x3FB0] =	sst s2  }
0xb: {  	[smem:$0x3FB1] =	sst s3  }
0xc: {  	[smem:$0x3FB2] =	sst s4  }
0xd: {  	[smem:$0x3FB3] =	sst s5  }
0xe: {  	[smem:$0x3FB4] =	sst s6  }
0xf: {  	[smem:$0x3FB5] =	sst s7  }
0x10: {  	[smem:$0x3FB6] =	sst s8  }
0x11: {  	[smem:$0x3FB7] =	sst s9;
	s0 =	simm.s32 @!p0 $0x0  }
0x12: {  	s1 =	sld [smem:$0x3F9D];
	s0 =	simm.s32 @p0 $0x1  }
0x13: {  	[smem:$0x3FB8] =	sst s0;
	s0 =	simm.s32 @!p1 $0x0  }
0x14: {  	s2 =	sld [smem:$0x3F9C];
	s0 =	simm.s32 @p1 $0x1  }
0x15: {  	[smem:$0x3FB9] =	sst s0;
	s0 =	simm.s32 @!p2 $0x0  }
0x16: {  	s3 =	sld [smem:$0x3FDB];
	s0 =	simm.s32 @p2 $0x1  }
0x17: {  	s4 =	simm.s32 $0x1BF5;
	[smem:$0x3FBB] =	sst s0  }
0x18: {  	s0 =	sld [smem:$0x3F9E];
	_ =	swait.ge [sflag:s4], $0x0  }
0x19: {  	s7 =	sld [smem:$0x3F9F]  }
0x1a: {  	s8 =	sadd.s32 $0xFFFFE003, lr  }
0x1b: {  	s9 =	sadd.s32 $0xFFFFFEF7, lr;
	s5 =	simm.s32 $0xFFFFFFFF;
	p2 =	slt.u32 s8, $0xFFFFF086  }
0x1c: {  	p1 =	slt.u32 s9, $0xF7A;
	s5 =	simm.s32 @!p2 $0x0  }
0x1d: {  	s5 =	simm.s32 @p1 $0x1;
	p0 =	seq.s32 s7, s2  }
0x1e: {  	s7 =	smul.u32 @!p0 $0xF7A, s2;
	p2 =	seq.s32 @!p0 s5, $0x0  }
0x1f: {  	s9 =	smul.u32 $0xF7A, s1;
	s8 =	simm.s32 @!p0 $0x1BF5;
	p2 =	por !p2, p0  }
0x20: {  	[sflag:s8] =	ssyncset.s32 @!p0 $0xFFFFF086;
	s6 =	sadd.s32 @!p0 s3, s7;
	s7 =	simm.s32 @!p0 $0x108  }
0x21: {  	s3 =	sadd.s32 s3, s9;
	s6 =	sadd.s32 @!p0 $0x88, s6;
	s7 =	simm.s32 @p2 $0x1082  }
0x22: {  	[simem:s7], [sflag:s8] =	dma.local @!p0 [hbm:s6], $0xF7A  }
0x23: {  	s9 =	sor.u32 $0xD0000000, s2;
	s6 =	simm.s32 $0x108;
	_ =	swait.ge @!p0 [sflag:s8], $0x0  }
0x24: {  	s3 =	sadd.s32 $0x88, s3;
	s6 =	simm.s32 @!p1 $0x1082;
	[sflag:s4] =	ssyncset.s32 $0xFFFFF086  }
0x25: {  	[simem:s6], [sflag:s4] =	dma.local [hbm:s3], $0xF7A  }
0x26: {  	[smem:$0x3F9F] =	sst s1;
	(tag) =	ssettag s2;
	_ =	strace s9  }
0x27: {  	s1 =	sld [smem:$0x3FAF]  }
0x28: {  	s2 =	sld [smem:$0x3FB0]  }
0x29: {  	s4 =	sld [smem:$0x3FB2]  }
0x2a: {  	p0 =	seq.s32 s5, $0x0;
	s5 =	sld [smem:$0x3FB3]  }
0x2b: {  	s6 =	sld [smem:$0x3FB4]  }
0x2c: {  	s7 =	sld [smem:$0x3FB5]  }
0x2d: {  	s3 =	simm.s32 $0x108;
	s8 =	sld [smem:$0x3FB6]  }
0x2e: {  	s3 =	simm.s32 @!p0 $0x1082;
	s9 =	sld [smem:$0x3FB7]  }
0x2f: {  	lr =	sadd.s32 s0, s3;
	s0 =	sld [smem:$0x3FAE]  }
0x30: {  	s3 =	sld [smem:$0x3FB1]  }
0x31: {  	[smem:$0x3FBA] =	sst s10  }
0x32: {  	s10 =	sld [smem:$0x3FB8];
	_ =	sdelay $0x3  }
0x33: {  	p0 =	seq.s32 s10, $0x1;
	s10 =	sld [smem:$0x3FBA];
	_ =	sdelay $0x3  }
0x34: {  	[smem:$0x3FBA] =	sst s10  }
0x35: {  	s10 =	sld [smem:$0x3FB9];
	_ =	sdelay $0x3  }
0x36: {  	p1 =	seq.s32 s10, $0x1;
	s10 =	sld [smem:$0x3FBA];
	_ =	sdelay $0x3  }
0x37: {  	[smem:$0x3FBA] =	sst s10  }
0x38: {  	s10 =	sld [smem:$0x3FBB]  }
0x39: {  	_ = 	snop;
	(pc) =	sbr.ind lr, $3  }
0x3a: {  	_ = 	snop  }
0x3b: {  	_ = 	snop  }
0x3c: {  	p2 =	seq.s32 s10, $0x1;
	s10 =	sld [smem:$0x3FBA]  }
0x3d: {  	_ =	shalt  }
0x3e: {  	_ =	shalt  }
0x3f: {  	_ =	shalt  }
0x40: {  	_ =	shalt  }
0x41: {  	_ =	shalt  }
0x42: {  	_ =	shalt  }
0x43: {  	_ =	shalt  }
0x44: {  	_ =	shalt  }
0x45: {  	_ =	shalt  }
0x46: {  	_ =	shalt  }
0x47: {  	_ =	shalt  }
0x48: {  	_ =	shalt  }
0x49: {  	_ =	shalt  }
0x4a: {  	_ =	shalt  }
0x4b: {  	_ =	shalt  }
0x4c: {  	_ =	shalt  }
0x4d: {  	_ =	shalt  }
0x4e: {  	_ =	shalt  }
0x4f: {  	_ =	shalt  }
0x50: {  	_ =	shalt  }
0x51: {  	_ =	shalt  }
0x52: {  	_ =	shalt  }
0x53: {  	_ =	shalt  }
0x54: {  	_ =	shalt  }
0x55: {  	_ =	shalt  }
0x56: {  	_ =	shalt  }
0x57: {  	_ =	shalt  }
0x58: {  	_ =	shalt  }
0x59: {  	_ =	shalt  }
0x5a: {  	_ =	shalt  }
0x5b: {  	_ =	shalt  }
0x5c: {  	_ =	shalt  }
0x5d: {  	_ =	shalt  }
0x5e: {  	_ =	shalt  }
0x5f: {  	_ =	shalt  }
0x60: {  	_ =	shalt  }
0x61: {  	_ =	shalt  }
0x62: {  	_ =	shalt  }
0x63: {  	_ =	shalt  }
0x64: {  	_ =	shalt  }
0x65: {  	_ =	shalt  }
0x66: {  	_ =	shalt  }
0x67: {  	_ =	shalt  }
0x68: {  	_ =	shalt  }
0x69: {  	_ =	shalt  }
0x6a: {  	_ =	shalt  }
0x6b: {  	_ =	shalt  }
0x6c: {  	_ =	shalt  }
0x6d: {  	_ =	shalt  }
0x6e: {  	_ =	shalt  }
0x6f: {  	_ =	shalt  }
0x70: {  	_ =	shalt  }
0x71: {  	_ =	shalt  }
0x72: {  	_ =	shalt  }
0x73: {  	_ =	shalt  }
0x74: {  	_ =	shalt  }
0x75: {  	_ =	shalt  }
0x76: {  	_ =	shalt  }
0x77: {  	_ =	shalt  }
0x78: {  	_ =	shalt  }
0x79: {  	_ =	shalt  }
0x7a: {  	_ =	shalt  }
0x7b: {  	_ =	shalt  }
0x7c: {  	_ =	shalt  }
0x7d: {  	_ =	shalt  }
0x7e: {  	_ =	shalt  }
0x7f: {  	_ =	shalt  }
0x80: {  	_ =	shalt  }
0x81: {  	_ =	shalt  }
0x82: {  	_ =	shalt  }
0x83: {  	_ =	shalt  }
0x84: {  	_ =	shalt  }
0x85: {  	_ =	shalt  }
0x86: {  	_ =	shalt  }
0x87: {  	_ =	shalt  }
.Lfunc_end0:
.L_simem_size_0:
called_computation_lowered:
.L_overlay_start_0:
0x88: {  	s2 =	sld [smem:$0x3FD9]  }
0x89: {  	s3 =	sld [smem:$0x3FFE];
	_ =	sdelay $0x1  }
0x8a: {  	s1 =	srdreg.scid  }
0x8b: {  	s0 =	sand.u32 $0x1, s1  }
0x8c: {  	s18 =	sshll.u32 s0, $0xA;
	s2 =	sadd.s32 s3, s2  }
0x8d: {  	s2 =	sadd.s32 s2, s18  }
0x8e: {  	[smem:$0x3FC6] =	sst s2  }
0x8f: {  	_ = 	snop  }
0x90: {  	s2 =	sld [smem:$0x3FC9]  }
0x91: {  	s19 =	sld [smem:$0x3FC8]  }
0x92: {  	s4 =	sld [smem:$0x3FD0];
	(tm) =	ssettm $0x1  }
0x93: {  	s5 =	sld [smem:$0x3FFB];
	_ =	sdelay $0x3  }
0x94: {  	_ =	strace s5  }
0x95: {  	s5 =	sld [smem:$0x3FFC];
	_ =	sdelay $0x3  }
0x96: {  	_ =	strace s5  }
0x97: {  	s5 =	sld [smem:$0x3FFD];
	_ =	sdelay $0x3  }
0x98: {  	_ =	strace s5  }
0x99: {  	_ =	strace $0x8FFFFFFF  }
0x9a: {  	s20 =	sld [smem:$0x3FDB];
	_ =	sdelay $0x1  }
0x9b: {  	s6 =	simm.s32 $_scs_section_size  }
0x9c: {  	s7 =	simm.s32 $_size__tile_overlayer_lowered;
	s8 =	simm.s32 $_tile_overlayer_lowered  }
0x9d: {  	s23 =	simm.s32 $0x1BFF;
	s22 =	sshll.u32 s8, $0x1;
	s5 =	sadd.s32 s6, s20  }
0x9e: {  	s9 =	simm.s32 $0x0;
	s21 =	sshll.u32 s7, $0x1;
	s7 =	sadd.s32 s22, s5  }
0x9f: {  	[timem:s9], [sflag:s23] =	dma.local [hbm:s7], s21  }
0xa0: {  	_ =	swait.ge [sflag:s23], s21  }
0xa1: {  	s6 =	ssub.s32 $0x0, s21;
	[sflag:s23] =	ssyncset.done $0x0  }
0xa2: {  	[sflag:s23] =	ssyncadd.s32 s6;
	_ =	sdelay $0x1  }
0xa3: {  	s24 =	simm.s32 $0x1B8B  }
0xa4: {  	_ =	swait.ge [sflag:s24], $0x1  }
0xa5: {  	[sflag:s24] =	ssyncset.done $0x0  }
0xa6: {  	s25 =	simm.s32 $0x1B8E;
	[sflag:s24] =	ssyncadd.s32 $0xFFFFFFFF  }
0xa7: {  	s26 =	simm.s32 $execute0_lowered;
	[smem:$0x3FD2] =	sst s25  }
0xa8: {  	s6 =	sshll.u32 s26, $0x1;
	_ =	strace $0x80000046;
	[dreg:$0x1] =	wrdreg $0xFFFFFFFF  }
0xa9: {  	s28 =	simm.s32 $_size_execute0_lowered;
	s5 =	sadd.s32 s5, s6;
	[dreg:$0x0] =	wrdreg $0x0  }
0xaa: {  	s6 =	sshll.u32 s28, $0x1;
	[dreg:$0x2] =	wrdreg s5  }
0xab: {  	[dreg:$0x3] =	wrdreg s6  }
0xac: {  	[dreg:$0x4] =	wrdreg $0xC0  }
0xad: {  	_ =	task [dreg:s9], $0x5FFFF  }
0xae: {  	[dreg:$0x1] =	wrdreg $0xFFFFFFFF  }
0xaf: {  	[dreg:$0x0] =	wrdreg $0x60  }
0xb0: {  	[dreg:$0x2] =	wrdreg s2  }
0xb1: {  	[dreg:$0x3] =	wrdreg s19  }
0xb2: {  	[dreg:$0x4] =	wrdreg s4  }
0xb3: {  	[dreg:$0x5] =	wrdreg $0x9  }
0xb4: {  	_ =	task.clear_ibuf [dreg:s9], $0x6FFFF;
	_ =	strace $0x90000046  }
0xb5: {  	s29 =	simm.s32 $0x9;
	_ =	strace $0x80000048  }
0xb6: {  	_ =	swait.ge [sflag:s29], $0x1  }
0xb7: {  	[sflag:s29] =	ssyncadd.s32 $0xFFFFFFFF  }
0xb8: {  	_ =	strace $0x90000048  }
0xb9: {  	_ =	sfence  }
0xba: {  	s30 =	sld [smem:$0x0];
	_ =	sdelay $0x2  }
0xbb: {  	s31 =	sshll.u32 s1, $0xD;
	s1 =	sshrl.u32 s1, $0x2  }
0xbc: {  	s3 =	sand.u32 $0x4000, s31;
	s1 =	sadd.s32 s1, s30  }
0xbd: {  	s0 =	sor.u32 s3, s0;
	s1 =	sshll.u32 s1, $0x11  }
0xbe: {  	s0 =	sor.u32 s1, s0  }
0xbf: {  	s0 =	sadd.s32 $0x8F2B, s0  }
0xc0: {  	[sflag:s0] =	ssyncadd.remote.s32 $0x1  }
0xc1: {  	_ =	sfence.sel $0xFFFF  }
0xc2: {  	[dreg:$0x0] =	wrdreg $0xFFFFFFFF;
	(pc) =	sbr.abs _section_cstart, $3  }
0xc3: {  	[dreg:$0x1] =	wrdreg $0xFFFFFFFF  }
0xc4: {  	_ =	task.clear_ibuf [dreg:s9], $0x2FFFF;
	_ =	strace $0x9FFFFFFF  }
0xc5: {  	(tm) =	ssettm $0x7FFFFFFF  }
tec
execute0_lowered:
.L_overlay_start_1:
0x0: {  	(tag) =	ssettag $0x1  }
0x1: {  	s3 =	rddreg [dreg:$0x0]  }
0x2: {  	s4 =	rddreg [dreg:$0x1]  }
0x3: {  	s6 =	rddreg [dreg:$0x2]  }
0x4: {  	s0 =	rddreg [dreg:$0x3];
	s5 =	srdreg.scid  }
0x5: {  	s2 =	simm.s32 $0x0;
	s1 =	stileid.u32;
	s10 =	simm.s32 $0x8  }
0x6: {  	s11 =	simm.s32 $0x9;
	s12 =	simm.s32 $0xA;
	s5 =	sand.u32 $0x1, s5  }
0x7: {  	s13 =	simm.s32 $0x0;
	s8 =	sshll.u32 s1, $0x10;
	s7 =	ssub.s32 $0x2, s5  }
0x8: {  	[smem:$0x7FF] =	sst s2;
	s5 =	sshll.u32 s5, $0xF;
	s9 =	sshrl.u32 s7, $0x1  }
0x9: {  	_ =	strace $0x80000047;
	s8 =	sor.u32 s5, s8;
	s7 =	ssub.s32 s7, s9  }
0xa: {  	s3 =	sadd.s32 s3, s8;
	s4 =	sadd.s32 s4, s8;
	s6 =	sadd.s32 s6, s8  }
0xb: {  	s8 =	simm.s32 $0xC000;
	s9 =	simm.s32 $0x7;
	s5 =	sadd.s32 $0x100000, s3  }
0xc: {  	[dreg:$0x4] =	wrdreg s6;
	s6 =	smax.u32 s7, $0x1;
	s7 =	simm.s32 $0x8000  }
.LBB2_1:
0xd: {  	[tilespmem:s2], [sflag:$0x1] =	stream.linear.gather [hbm4b:s4+s2], $0x4000, $0x38;
	[tilespmem:$0x18000] =	vst v63  }
0xe: {  	s14 =	simm.s32 $0x400;
	p1 =	por $0x0, $0x0  }
0xf: {  	s15 =	simm.s32 $0x0;
	s20 =	sand.u32 $0x3, s2;
	p0 =	por @!p1 $0x1, $0x1  }
0x10: {  	s16 =	simm.s32 @!p1 $0x2;
	s17 =	sand.u32 @!p1 $0xF800, s14;
	s15 =	sand.u32 $0x1, s15  }
0x11: {  	[tilespmem:s7], [sflag:$0x3] =	stream.linear.gather [hbm4b:s3+s2], $0x4000, $0x38;
	[tilespmem:$0x18000] =	vst v63  }
0x12: {  	p2 =	por p0, p1;
	s16 =	sand.u32 @!p1 $0x3, s16;
	p0 =	sne.s32 s20, $0x0  }
0x13: {  	s18 =	sxor.u32 @!p2 $0x2, s20;
	s19 =	sshll.u32 @!p1 s16, $0x14;
	p3 =	por @!p0 $0x0, $0x0  }
0x14: {  	[tilespmem:s8], [sflag:$0x4] =	stream.linear.gather [hbm4b:s5+s2], $0x4000, $0x38;
	[tilespmem:$0x18000] =	vst v63  }
0x15: {  	s21 =	sadd.s32 @!p1 $0x3, s16;
	s19 =	sadd.s32 @!p1 s19, s3;
	p3 =	por p3, p0  }
0x16: {  	s18 =	sadd.s32 @!p2 $0x7, s18;
	s17 =	sadd.s32 @!p1 s17, s19;
	s19 =	simm.s32 @!p3 $0x1  }
0x17: {  	s16 =	sshll.u32 @!p1 s16, $0xE;
	_ =	swait.ge @!p2 [sflag:s18], $0x4000;
	s19 =	sand.u32 @!p3 $0x1, s19  }
0x18: {  	s16 =	sadd.s32 @!p1 $0x8000, s16;
	[sflag:s18] =	ssyncset.done @!p2 $0x0;
	s22 =	sadd.s32 @!p3 $0x1, s19  }
0x19: {  	s19 =	sshll.u32 @!p3 s19, $0xE;
	[sflag:s18] =	ssyncadd.s32 @!p2 $0xFFFFC000;
	s18 =	simm.s32 @!p1 $0x0  }
0x1a: {  	[tilespmem:s16], [sflag:s21] =	stream.linear.gather @!p1 [hbm4b:s17+s18], $0x4000, $0x38;
	[tilespmem:$0x18000] =	vst v63  }
0x1b: {  	s16 =	sadd.s32 @!p3 $0x800, s4;
	s17 =	simm.s32 @!p3 $0x0;
	s18 =	sadd.s32 @!p0 $0x1, s15  }
0x1c: {  	[tilespmem:s19], [sflag:s22] =	stream.linear.gather @!p3 [hbm4b:s16+s17], $0x4000, $0x38;
	[tilespmem:$0x18000] =	vst v63  }
0x1d: {  	s31 =	sshll.u32 s20, $0xE;
	_ =	swait.ge @!p0 [sflag:s18], $0x4000  }
0x1e: {  	s15 =	simm.s32 $0x1;
	s21 =	simm.s32 $0x0;
	[sflag:s18] =	ssyncset.done @!p0 $0x0  }
0x1f: {  	s17 =	sadd.s32 $0x7, s20;
	s19 =	sadd.s32 $0x3, s20;
	[sflag:s18] =	ssyncadd.s32 @!p0 $0xFFFFC000  }
0x20: {  	s20 =	sshll.u32 s20, $0x14;
	s18 =	sadd.s32 $0x8000, s31;
	_ =	swait.ge [sflag:s19], $0x4000  }
.LBB2_2:
0x21: {  	[sflag:s19] =	ssyncset.done $0x0  }
0x22: {  	s14 =	sadd.s32 $0x200, s14;
	s22 =	smov.u32 s15;
	s15 =	sadd.s32 $0x1, s15  }
0x23: {  	s23 =	rddreg [dreg:$0x4];
	s16 =	sshrl.u32 s22, $0x2;
	p0 =	sgt.u32 s22, $0x3D  }
0x24: {  	s26 =	sand.u32 $0x3, s22;
	s21 =	sadd.s32 s21, s23;
	[sflag:s19] =	ssyncadd.s32 $0xFFFFC000  }
0x25: {  	p1 =	slt.u32 @!p0 s22, $0x2;
	s24 =	sadd.s32 @!p0 $0x2, s22;
	s25 =	sand.u32 @!p0 $0xF800, s14  }
0x26: {  	s30 =	sadd.s32 s20, s21;
	p2 =	por p1, p0;
	s24 =	sand.u32 @!p0 $0x3, s24  }
0x27: {  	[hbm4b:s30+s2] =	stream.linear.scatter [tilespmem:s18], [sflag:s17], $0x4000, $0x38;
	[tilespmem:$0x18000] =	vst v63  }
0x28: {  	p1 =	sne.s32 s26, $0x0;
	s28 =	sxor.u32 @!p2 $0x2, s26;
	s29 =	sshll.u32 @!p0 s24, $0x14  }
0x29: {  	s23 =	sadd.s32 @!p0 $0x3, s24;
	s24 =	sshll.u32 @!p0 s24, $0xE;
	p3 =	sgt.u32 @!p1 s22, $0x3B  }
0x2a: {  	s28 =	sadd.s32 @!p2 $0x7, s28;
	s29 =	sadd.s32 @!p0 s29, s3;
	p4 =	por p3, p1  }
0x2b: {  	s24 =	sadd.s32 @!p0 $0x8000, s24;
	s22 =	sadd.s32 @!p0 s25, s29;
	s25 =	sadd.s32 @!p4 $0x1, s16  }
0x2c: {  	p3 =	sne.s32 s15, $0x40;
	_ =	swait.ge @!p2 [sflag:s28], $0x4000;
	s20 =	sshll.u32 @!p4 s25, $0xB  }
0x2d: {  	s21 =	sand.u32 @!p4 $0x1, s25;
	[sflag:s28] =	ssyncset.done @!p2 $0x0;
	s25 =	simm.s32 @!p0 $0x0  }
0x2e: {  	s17 =	sadd.s32 @!p4 $0x1, s21;
	s18 =	sshll.u32 @!p4 s21, $0xE;
	[sflag:s28] =	ssyncadd.s32 @!p2 $0xFFFFC000  }
0x2f: {  	[tilespmem:s24], [sflag:s23] =	stream.linear.gather @!p0 [hbm4b:s22+s25], $0x4000, $0x38;
	[tilespmem:$0x18000] =	vst v63  }
0x30: {  	s19 =	sadd.s32 @!p4 s20, s4;
	s20 =	simm.s32 @!p4 $0x0;
	s21 =	sand.u32 $0x1, s16  }
0x31: {  	[tilespmem:s18], [sflag:s17] =	stream.linear.gather @!p4 [hbm4b:s19+s20], $0x4000, $0x38;
	[tilespmem:$0x18000] =	vst v63  }
.Ltmp0:
0x32: {  	s21 =	sadd.s32 @!p1 $0x1, s21;
	(pc) =	sbr.rel @p3 .LBB2_2-.Ltmp0, $4  }
0x33: {  	_ =	swait.ge @!p1 [sflag:s21], $0x4000  }
0x34: {  	s31 =	sshll.u32 s26, $0xE;
	s17 =	sadd.s32 $0x7, s26;
	[sflag:s21] =	ssyncset.done @!p1 $0x0  }
0x35: {  	s19 =	sadd.s32 $0x3, s26;
	s18 =	sadd.s32 $0x8000, s31;
	[sflag:s21] =	ssyncadd.s32 @!p1 $0xFFFFC000  }
0x36: {  	s20 =	sshll.u32 s26, $0x14;
	s21 =	sshll.u32 s16, $0xB;
	_ =	swait.ge [sflag:s19], $0x4000  }
0x37: {  	s14 =	rddreg [dreg:$0x4]  }
0x38: {  	[sflag:s19] =	ssyncset.done $0x0;
	s14 =	sadd.s32 s21, s14  }
0x39: {  	[sflag:s19] =	ssyncadd.s32 $0xFFFFC000;
	s14 =	sadd.s32 s20, s14  }
0x3a: {  	[hbm4b:s14+s2] =	stream.linear.scatter [tilespmem:s18], [sflag:s17], $0x4000, $0x38;
	[tilespmem:$0x18000] =	vst v63  }
0x3b: {  	_ =	swait.ge [sflag:s9], $0x4000  }
0x3c: {  	[sflag:s9] =	ssyncset.done $0x0  }
0x3d: {  	[sflag:s9] =	ssyncadd.s32 $0xFFFFC000  }
0x3e: {  	_ =	swait.ge [sflag:s10], $0x4000  }
0x3f: {  	[sflag:s10] =	ssyncset.done $0x0  }
0x40: {  	s13 =	sadd.s32 $0x1, s13;
	[sflag:s10] =	ssyncadd.s32 $0xFFFFC000  }
0x41: {  	p0 =	sne.s32 s13, s6;
	_ =	swait.ge [sflag:s11], $0x4000  }
.Ltmp1:
0x42: {  	[sflag:s11] =	ssyncset.done $0x0;
	(pc) =	sbr.rel @p0 .LBB2_1-.Ltmp1, $4  }
0x43: {  	[sflag:s11] =	ssyncadd.s32 $0xFFFFC000  }
0x44: {  	_ =	swait.ge [sflag:s12], $0x4000  }
0x45: {  	[sflag:s12] =	ssyncset.done $0x0  }
0x46: {  	[sflag:s12] =	ssyncadd.s32 $0xFFFFC000  }
0x47: {  	_ =	sfence.sel $0x180000  }
0x48: {  	[bflag:$0x0] =	sbarrier.arrive $0xFFFF  }
0x49: {  	p0 =	sne.s32 s1, $0x0;
	_ =	strace $0x90000047  }
0x4a: {  	s0 =	sadd.s32 @!p0 $0x100000, s0;
	[bflag:$0x2] =	sbarrier.arrive $0xFFFF  }
0x4b: {  	[sflag:s0] =	ssyncadd.tile.s32 @!p0 $0x1;
	_ =	shalt  }
.Lfunc_end2:
_tile_overlayer_lowered:
.L_overlay_start_2:
0x4c: {  	(tag) =	ssettag $0x2  }
0x4d: {  	s0 =	rddreg [dreg:$0x0];
	s2 =	stileid.u32  }
0x4e: {  	s1 =	rddreg [dreg:$0x1];
	p0 =	sne.s32 s2, $0x0  }
0x4f: {  	s3 =	rddreg [dreg:$0x2];
	[bflag:$0x3] =	sbarrier.arrive $0xFFFF;
	s2 =	simm.s32 @!p0 $0x1C0B  }
0x50: {  	[timem:s3], [sflag:s2] =	dma.local @!p0 [hbm:s0], s1  }
0x51: {  	s0 =	simm.s32 @!p0 $0xB  }
0x52: {  	_ =	swait.ge @!p0 [sflag:s0], s1  }
0x53: {  	s1 =	ssub.s32 @!p0 $0x0, s1;
	[sflag:s0] =	ssyncset.done @!p0 $0x0  }
0x54: {  	[sflag:s0] =	ssyncadd.s32 @!p0 s1  }
0x55: {  	[bflag:$0x3] =	sbarrier.arrive $0xFFFF  }
0x56: {  	_ =	shalt  }

</sc_bundles>
